<compile_context>
chip_gen: v7x
topology: tpu7x:2x2x1
jax: 0.10.2.dev20260603
libtpu: 0.0.44.dev20260713+nightly
codegen_flags: <defaults>
</compile_context>

<pallas_src>
import functools

import jax
import jax.numpy as jnp
from jax import lax
from jax.experimental import pallas as pl
from jax.experimental.pallas import tpu as pltpu
from jax.experimental.pallas import tpu_sc as plsc

N_USERS = 3000
N_ITEMS = 5000
N_ENT = 7000
N_NODES = N_USERS + N_ENT
D = 256
N_HOPS = 2
E = 160000

BE = 2000
DUMP = 13000


def _edge_mlp_body(g_ref, w1c_ref, b1c_ref, w2c_ref, b2c_ref,
                   w1o_ref, b1o_ref, h2_ref, l1_ref, ho_ref):
    x = g_ref[:, :D]
    h = jnp.maximum(
        jnp.dot(x, w1c_ref[...], preferred_element_type=jnp.float32)
        + b1c_ref[...], 0.0)
    h2_ref[...] = (jnp.dot(h, w2c_ref[...], preferred_element_type=jnp.float32)
                   + b2c_ref[...])
    ho = jnp.maximum(g_ref[:, D:], 0.0)
    ho_ref[...] = ho
    l1_ref[...] = jnp.maximum(
        jnp.dot(ho, w1o_ref[...], preferred_element_type=jnp.float32)
        + b1o_ref[...], 0.0)


def _edge_mlp(gathered, w1c_t, b1c, w2c_t, b2c, w1o_t, b1o):
    n = gathered.shape[0]
    grid = n // BE
    row_spec = pl.BlockSpec((BE, D), lambda i: (i, 0))
    full = pl.BlockSpec((D, D), lambda i: (0, 0))
    bias = pl.BlockSpec((1, D), lambda i: (0, 0))
    return pl.pallas_call(
        _edge_mlp_body,
        grid=(grid,),
        in_specs=[pl.BlockSpec((BE, 2 * D), lambda i: (i, 0)),
                  full, bias, full, bias, full, bias],
        out_specs=[row_spec, row_spec, row_spec],
        out_shape=[jax.ShapeDtypeStruct((n, D), jnp.float32),
                   jax.ShapeDtypeStruct((n, D), jnp.float32),
                   jax.ShapeDtypeStruct((n, D), jnp.float32)],
    )(gathered, w1c_t, b1c.reshape(1, D), w2c_t, b2c.reshape(1, D),
      w1o_t, b1o.reshape(1, D))


_NW = 32
_EPW = E // _NW


@functools.partial(jax.jit, static_argnames=("width", "grp"))
def _sc_gather(table, idx, width, grp):
    mesh = plsc.VectorSubcoreMesh(core_axis_name="c", subcore_axis_name="s")

    @functools.partial(
        pl.kernel, mesh=mesh,
        out_type=jax.ShapeDtypeStruct((E, width), jnp.float32),
        scratch_types=[
            pltpu.VMEM((_EPW,), jnp.int32),
            pltpu.VMEM((grp, width), jnp.float32),
            pltpu.VMEM((grp, width), jnp.float32),
            pltpu.SemaphoreType.DMA,
            pltpu.SemaphoreType.DMA,
        ],
    )
    def k(table_hbm, idx_hbm, out_hbm, idx_v, buf0, buf1, sem0, sem1):
        wid = lax.axis_index("s") * 2 + lax.axis_index("c")
        base = wid * _EPW
        nchunk = _EPW // grp
        pltpu.sync_copy(idx_hbm.at[pl.ds(base, _EPW)], idx_v)

        def src(c):
            return table_hbm.at[idx_v.at[pl.ds(c * grp, grp)]]

        def dst(c):
            return out_hbm.at[pl.ds(base + c * grp, grp)]

        pltpu.async_copy(src(0), buf0, sem0)

        def body(c, carry):
            def step(cur, nxt, csem, nsem):
                pltpu.make_async_copy(src(c), cur, csem).wait()

                @pl.when(c + 1 < nchunk)
                def _():
                    pltpu.async_copy(src(c + 1), nxt, nsem)

                pltpu.sync_copy(cur, dst(c))

            @pl.when(c % 2 == 0)
            def _():
                step(buf0, buf1, sem0, sem1)

            @pl.when(c % 2 == 1)
            def _():
                step(buf1, buf0, sem1, sem0)

            return carry

        lax.fori_loop(0, nchunk, body, 0)

    return k(table, idx)


def _dense_body(act, x_ref, w_ref, b_ref, o_ref):
    y = (jnp.dot(x_ref[...], w_ref[...], preferred_element_type=jnp.float32)
         + b_ref[...])
    if act == "relu":
        y = jnp.maximum(y, 0.0)
    elif act == "sigmoid":
        y = jax.nn.sigmoid(y)
    o_ref[...] = y


def _dense(x, w_t, b, act, blk):
    n = x.shape[0]
    grid = n // blk
    row_spec = pl.BlockSpec((blk, D), lambda i: (i, 0))
    return pl.pallas_call(
        functools.partial(_dense_body, act),
        grid=(grid,),
        in_specs=[row_spec, pl.BlockSpec((D, D), lambda i: (0, 0)),
                  pl.BlockSpec((1, D), lambda i: (0, 0))],
        out_specs=row_spec,
        out_shape=jax.ShapeDtypeStruct((n, D), jnp.float32),
    )(x, w_t, b.reshape(1, D))


def kernel(user_emb, user_offset_emb, item_emb, item_offset_emb, graph,
           center_W1, center_b1, center_W2, center_b2,
           offset_W1, offset_b1, offset_W2, offset_b2):
    head = graph[0]
    tail = graph[1]

    m1 = (tail >= N_USERS) & (head < N_USERS) & (tail < N_USERS + N_ITEMS)
    m2 = (head < N_USERS) & (tail >= N_USERS + N_ITEMS)
    rest = (head >= N_USERS) | m2
    m4 = head >= N_USERS + N_ITEMS

    i_sum = jnp.where(m1, head, jnp.where(rest, head + N_USERS, DUMP))
    is_min = m1 | m4

    w1c_t = center_W1.T
    w2c_t = center_W2.T
    w1o_t = offset_W1.T
    w2o_t = offset_W2.T

    all_embs = jnp.concatenate([user_emb, item_emb], axis=0)
    all_off = jax.nn.relu(
        jnp.concatenate([user_offset_emb, item_offset_emb], axis=0))

    cnt = jax.ops.segment_sum(jnp.ones((E,), jnp.float32), i_sum,
                              num_segments=DUMP + 1)[:DUMP]

    for _ in range(N_HOPS):
        table = jnp.concatenate([all_embs, all_off], axis=1)
        gathered = _sc_gather(table, tail, 512, 40)
        hist = gathered[:, :D]

        h2, l1, hist_off = _edge_mlp(gathered, w1c_t, center_b1,
                                     w2c_t, center_b2, w1o_t, offset_b1)

        m = jax.ops.segment_max(h2, head, num_segments=N_NODES)
        m = jnp.where(jnp.isfinite(m), m, 0.0)
        e = jnp.exp(h2 - _sc_gather(m, head, D, 200))
        es = jax.ops.segment_sum(jnp.concatenate([e, e * hist], axis=1),
                                 head, num_segments=N_NODES)
        agg = es[:, D:] / (es[:, :D] + 1e-16)

        s1 = jax.ops.segment_sum(l1, i_sum, num_segments=DUMP + 1)[:DUMP]
        z = jnp.where(is_min[:, None], -hist_off, hist_off)
        a = jax.ops.segment_max(z, i_sum, num_segments=DUMP + 1)
        off = jnp.concatenate([-a[:N_USERS],
                               a[N_USERS:11000],
                               -a[11000:DUMP]], axis=0)

        mean = s1 / jnp.maximum(cnt, 1.0)[:, None]
        gate = _dense(mean, w2o_t, offset_b2, "sigmoid", 1000)
        off = jnp.where((cnt > 0)[:, None], off, 0.0)
        off = off * gate

        iu = off[:N_USERS]
        ut = off[N_USERS:2 * N_USERS]
        it = off[2 * N_USERS:2 * N_USERS + N_ITEMS]
        tg = off[11000:DUMP]

        uo2 = jnp.concatenate([iu, ut], axis=0)
        l1u = _dense(uo2, w1o_t, offset_b1, "relu", 1000)
        mean2 = 0.5 * (l1u[:N_USERS] + l1u[N_USERS:])
        gate2 = _dense(mean2, w2o_t, offset_b2, "sigmoid", 1000)
        uo = jax.nn.relu(jnp.maximum(iu, ut) * gate2)

        agg_off = jnp.concatenate([uo, it, tg], axis=0)

        nrm = jnp.sqrt(jnp.sum(agg * agg, axis=1, keepdims=True))
        all_embs = agg / jnp.maximum(nrm, 1e-12)
        all_off = agg_off

    return all_embs, all_off

# --- scband reference (transcript-rebuilt; emitter-appended) ---
"""Pipeline reference for scband-recommender-59837484368265 (READ-ONLY COPY).

The authoritative reference and input builder live on the scoring server;
editing this copy changes nothing except your own understanding.
"""

import jax, jax.numpy as jnp
import numpy as np

N_USERS = 3000
N_ITEMS = 5000
N_ENT = 7000
N_NODES = N_USERS + N_ENT
D = 256
N_HOPS = 2
E = 160000


def _xavier(key, shape):
    a = float(np.sqrt(6.0 / (shape[0] + shape[1])))
    return jax.random.uniform(key, shape, minval=-a, maxval=a, dtype=jnp.float32)


def setup_inputs(seed: int = 0):
    key = jax.random.key(seed)
    ks = jax.random.split(key, 16)
    return {
        "user_emb": jax.random.normal(ks[0], (N_USERS, D), jnp.float32),
        "user_offset_emb": jax.random.normal(ks[1], (N_USERS, D), jnp.float32),
        "item_emb": jax.random.normal(ks[2], (N_ENT, D), jnp.float32),
        "item_offset_emb": jax.random.normal(ks[3], (N_ENT, D), jnp.float32),
        "graph": jax.random.randint(ks[4], (2, E), 0, N_NODES, dtype=jnp.int32),
        "center_W1": _xavier(ks[5], (D, D)),
        "center_b1": jnp.zeros((D,), jnp.float32),
        "center_W2": _xavier(ks[6], (D, D)),
        "center_b2": jnp.zeros((D,), jnp.float32),
        "offset_W1": _xavier(ks[7], (D, D)),
        "offset_b1": jnp.zeros((D,), jnp.float32),
        "offset_W2": _xavier(ks[8], (D, D)),
        "offset_b2": jnp.zeros((D,), jnp.float32),
    }


def _segment_softmax(src, idx, num):
    m = jax.ops.segment_max(src, idx, num_segments=num)
    m = jnp.where(jnp.isfinite(m), m, 0.0)
    e = jnp.exp(src - m[idx])
    s = jax.ops.segment_sum(e, idx, num_segments=num)
    return e / (s[idx] + 1e-16)


def _center_net(emb, idx, num, W1, b1, W2, b2):
    h = jax.nn.relu(emb @ W1.T + b1)
    h2 = h @ W2.T + b2
    att = _segment_softmax(h2, idx, num)
    return jax.ops.segment_sum(att * emb, idx, num_segments=num)


def _offset_net(emb, idx, num, W1, b1, W2, b2, use_min):
    l1 = jax.nn.relu(emb @ W1.T + b1)
    cnt = jax.ops.segment_sum(jnp.ones((emb.shape[0],), jnp.float32), idx, num_segments=num)
    mean = jax.ops.segment_sum(l1, idx, num_segments=num) / jnp.maximum(cnt, 1.0)[:, None]
    gate = jax.nn.sigmoid(mean @ W2.T + b2)
    if use_min:
        off = jax.ops.segment_min(emb, idx, num_segments=num)
    else:
        off = jax.ops.segment_max(emb, idx, num_segments=num)
    off = jnp.where((cnt > 0)[:, None], off, 0.0)
    return off * gate


def reference(user_emb, user_offset_emb, item_emb, item_offset_emb, graph,
              center_W1, center_b1, center_W2, center_b2,
              offset_W1, offset_b1, offset_W2, offset_b2):
    head = graph[0]
    tail = graph[1]
    m1 = (tail >= N_USERS) & (head < N_USERS) & (tail < N_USERS + N_ITEMS)
    m2 = (head < N_USERS) & (tail >= N_USERS + N_ITEMS)
    m3 = (head >= N_USERS) & (head < N_USERS + N_ITEMS)
    m4 = head >= N_USERS + N_ITEMS
    head_m1 = jnp.where(m1, head, N_NODES)
    head_m2 = jnp.where(m2, head, N_NODES)
    head_m3 = jnp.where(m3, head, N_NODES)
    head_m4 = jnp.where(m4, head, N_NODES)
    union_idx = jnp.concatenate([jnp.arange(N_USERS), jnp.arange(N_USERS)])

    all_embs = jnp.concatenate([user_emb, item_emb], axis=0)
    all_off = jax.nn.relu(jnp.concatenate([user_offset_emb, item_offset_emb], axis=0))

    for _ in range(N_HOPS):
        hist = all_embs[tail]
        agg = _center_net(hist, head, N_NODES, center_W1, center_b1, center_W2, center_b2)
        hist_off = jax.nn.relu(all_off[tail])
        iu = _offset_net(hist_off, head_m1, N_NODES + 1,
                         offset_W1, offset_b1, offset_W2, offset_b2, True)[:N_USERS]
        ut = _offset_net(hist_off, head_m2, N_NODES + 1,
                         offset_W1, offset_b1, offset_W2, offset_b2, False)[:N_USERS]
        it = _offset_net(hist_off, head_m3, N_NODES + 1,
                         offset_W1, offset_b1, offset_W2, offset_b2, False)[N_USERS:N_USERS + N_ITEMS]
        tg = _offset_net(hist_off, head_m4, N_NODES + 1,
                         offset_W1, offset_b1, offset_W2, offset_b2, True)[N_USERS + N_ITEMS:N_NODES]
        uo = jnp.concatenate([iu, ut], axis=0)
        uo = jax.nn.relu(_offset_net(uo, union_idx, N_USERS,
                                     offset_W1, offset_b1, offset_W2, offset_b2, False))
        agg_off = jnp.concatenate([uo, it, tg], axis=0)
        nrm = jnp.linalg.norm(agg, axis=1, keepdims=True)
        agg = agg / jnp.maximum(nrm, 1e-12)
        all_embs = agg
        all_off = agg_off

    return all_embs, all_off

if __name__ == "__main__":
    import jax
    _d = setup_inputs()
    print(jax.jit(kernel)(*tuple(_d.values())))

</pallas_src>

<mosaic_0001>
#map = affine_map<(d0, d1) -> (0, 0)>
#map1 = affine_map<(d0, d1) -> (0)>
module attributes {stable_mosaic.version = 14 : i64} {
  func.func @k(%arg0: i32, %arg1: i32, %arg2: memref<10000x512xf32, #tpu.memory_space<hbm>>, %arg3: memref<160000xi32, #tpu.memory_space<hbm>>, %arg4: memref<160000x512xf32, #tpu.memory_space<hbm>>, %arg5: memref<5000xi32, #tpu.memory_space<vmem>>, %arg6: memref<40x512xf32, #tpu.memory_space<vmem>>, %arg7: memref<40x512xf32, #tpu.memory_space<vmem>>, %arg8: memref<!tpu.dma_semaphore, #tpu.memory_space<semaphore_mem>>, %arg9: memref<!tpu.dma_semaphore, #tpu.memory_space<semaphore_mem>>) attributes {dimension_semantics = [#tpu.dimension_semantics<core_parallel>, #tpu.dimension_semantics<subcore_parallel>], iteration_bounds = array<i64: 2, 16>, scalar_prefetch = 0 : i64, scratch_operands = 5 : i64, tpu.core_type = #tpu.core_type<sc_vector_subcore>, window_params = [{transform_indices = #map}, {transform_indices = #map1}, {transform_indices = #map}]} {
    %mul3A = arith.constant 2 : i32
    %mul3A_0 = arith.muli %arg1, %mul3A : i32
    %add3A = arith.addi %mul3A_0, %arg0 : i32
    %mul3A_1 = arith.constant 5000 : i32
    %mul3A_2 = arith.muli %add3A, %mul3A_1 : i32
    "tpu.region"() ({
      %run_scoped3A = tpu.sem_alloc : memref<!tpu.dma_semaphore, #tpu.memory_space<semaphore_mem>>
      %dma_start3A_12 = tpu.memref_slice %arg3[%mul3A_2] : memref<160000xi32, #tpu.memory_space<hbm>> -> memref<5000xi32, #tpu.memory_space<hbm>>
      %dma_start3A_13 = tpu.memref_slice %arg3[%mul3A_2] : memref<160000xi32, #tpu.memory_space<hbm>> -> memref<5000xi32, #tpu.memory_space<hbm>>
      tpu.enqueue_dma source(%dma_start3A_13 : memref<5000xi32, #tpu.memory_space<hbm>>) target(%arg5 : memref<5000xi32, #tpu.memory_space<vmem>>) target_semaphore(%run_scoped3A : memref<!tpu.dma_semaphore, #tpu.memory_space<semaphore_mem>>)
      %dma_wait3A = tpu.memref_slice %arg3[%mul3A_2] : memref<160000xi32, #tpu.memory_space<hbm>> -> memref<5000xi32, #tpu.memory_space<hbm>>
      %dma_wait3A_14 = tpu.memref_slice %arg3[%mul3A_2] : memref<160000xi32, #tpu.memory_space<hbm>> -> memref<5000xi32, #tpu.memory_space<hbm>>
      tpu.wait_dma2 semaphore(%run_scoped3A : memref<!tpu.dma_semaphore, #tpu.memory_space<semaphore_mem>>) src(%dma_wait3A_14 : memref<5000xi32, #tpu.memory_space<hbm>>) dst(%arg5 : memref<5000xi32, #tpu.memory_space<vmem>>)
      tpu.yield
    }) : () -> ()
    %dma_start3A = arith.constant 0 : i32
    %dma_start3A_3 = tpu.memref_slice %arg5[%dma_start3A] : memref<5000xi32, #tpu.memory_space<vmem>> -> memref<40xi32, #tpu.memory_space<vmem>>
    %dma_start3A_4 = arith.constant 0 : i32
    %dma_start3A_5 = arith.constant 0 : i32
    %dma_start3A_6 = tpu.memref_slice %arg2[%dma_start3A_4, %dma_start3A_5] : memref<10000x512xf32, #tpu.memory_space<hbm>> -> memref<10000x512xf32, #tpu.memory_space<hbm>>
    tpu.enqueue_indirect_dma source(%dma_start3A_6 : memref<10000x512xf32, #tpu.memory_space<hbm>>) target(%arg6 : memref<40x512xf32, #tpu.memory_space<vmem>>) offsets(%dma_start3A_3 : memref<40xi32, #tpu.memory_space<vmem>>) semaphore(%arg8 : memref<!tpu.dma_semaphore, #tpu.memory_space<semaphore_mem>>)
    %scan3A = arith.constant 0 : i32
    %scan3A_7 = arith.constant 0 : i32
    %scan3A_8 = arith.constant 125 : i32
    %scan3A_9 = arith.addi %scan3A_7, %scan3A_8 : i32
    %scan3A_10 = arith.constant 1 : i32
    scf.for %scan3A_12 = %scan3A_7 to %scan3A_9 step %scan3A_10  : i32 {
      %jit3A = arith.constant 2 : i32
      %eq3A = arith.constant 0 : i32
      %eq3A_13 = arith.cmpi eq, %jit3A, %eq3A : i32
      %jit3A_14 = arith.constant 1 : i32
      %select_n3A = arith.select %eq3A_13, %jit3A_14, %jit3A : i32
      %rem3A = arith.remsi %scan3A_12, %select_n3A : i32
      %ne3A = arith.constant 0 : i32
      %ne3A_15 = arith.cmpi ne, %rem3A, %ne3A : i32
      %lt3A = arith.constant 0 : i32
      %lt3A_16 = arith.cmpi slt, %rem3A, %lt3A : i32
      %lt3A_17 = arith.constant 0 : i32
      %lt3A_18 = arith.cmpi slt, %select_n3A, %lt3A_17 : i32
      %ne3A_19 = arith.xori %lt3A_16, %lt3A_18 : i1
      %and3A = arith.andi %ne3A_19, %ne3A_15 : i1
      %add3A_20 = arith.addi %rem3A, %select_n3A : i32
      %select_n3A_21 = arith.select %and3A, %add3A_20, %rem3A : i32
      %eq3A_22 = arith.constant 0 : i32
      %eq3A_23 = arith.cmpi eq, %select_n3A_21, %eq3A_22 : i32
      %convert_element_type3A = arith.extui %eq3A_23 : i1 to i32
      %cond3A = arith.constant 0 : i32
      %cond3A_24 = arith.cmpi ne, %convert_element_type3A, %cond3A : i32
      scf.if %cond3A_24 {
        %mul3A_46 = arith.constant 40 : i32
        %mul3A_47 = arith.muli %scan3A_12, %mul3A_46 : i32
        %dma_wait3A = tpu.memref_slice %arg5[%mul3A_47] : memref<5000xi32, #tpu.memory_space<vmem>> -> memref<40xi32, #tpu.memory_space<vmem>>
        %dma_wait3A_48 = arith.constant 0 : i32
        %dma_wait3A_49 = arith.constant 0 : i32
        %dma_wait3A_50 = tpu.memref_slice %arg2[%dma_wait3A_48, %dma_wait3A_49] : memref<10000x512xf32, #tpu.memory_space<hbm>> -> memref<10000x512xf32, #tpu.memory_space<hbm>>
        tpu.wait_indirect_dma semaphore(%arg8 : memref<!tpu.dma_semaphore, #tpu.memory_space<semaphore_mem>>) src(%dma_wait3A_50 : memref<10000x512xf32, #tpu.memory_space<hbm>>) dst(%arg6 : memref<40x512xf32, #tpu.memory_space<vmem>>)
        %add3A_51 = arith.constant 1 : i32
        %add3A_52 = arith.addi %scan3A_12, %add3A_51 : i32
        %lt3A_53 = arith.constant 125 : i32
        %lt3A_54 = arith.cmpi slt, %add3A_52, %lt3A_53 : i32
        %convert_element_type3A_55 = arith.extui %lt3A_54 : i1 to i32
        %cond3A_56 = arith.constant 0 : i32
        %cond3A_57 = arith.cmpi ne, %convert_element_type3A_55, %cond3A_56 : i32
        scf.if %cond3A_57 {
          %add3A_61 = arith.constant 1 : i32
          %add3A_62 = arith.addi %scan3A_12, %add3A_61 : i32
          %mul3A_63 = arith.constant 40 : i32
          %mul3A_64 = arith.muli %add3A_62, %mul3A_63 : i32
          %dma_start3A_65 = tpu.memref_slice %arg5[%mul3A_64] : memref<5000xi32, #tpu.memory_space<vmem>> -> memref<40xi32, #tpu.memory_space<vmem>>
          %dma_start3A_66 = arith.constant 0 : i32
          %dma_start3A_67 = arith.constant 0 : i32
          %dma_start3A_68 = tpu.memref_slice %arg2[%dma_start3A_66, %dma_start3A_67] : memref<10000x512xf32, #tpu.memory_space<hbm>> -> memref<10000x512xf32, #tpu.memory_space<hbm>>
          tpu.enqueue_indirect_dma source(%dma_start3A_68 : memref<10000x512xf32, #tpu.memory_space<hbm>>) target(%arg7 : memref<40x512xf32, #tpu.memory_space<vmem>>) offsets(%dma_start3A_65 : memref<40xi32, #tpu.memory_space<vmem>>) semaphore(%arg9 : memref<!tpu.dma_semaphore, #tpu.memory_space<semaphore_mem>>)
        } else {
        }
        %mul3A_58 = arith.constant 40 : i32
        %mul3A_59 = arith.muli %scan3A_12, %mul3A_58 : i32
        %add3A_60 = arith.addi %mul3A_2, %mul3A_59 : i32
        "tpu.region"() ({
          %run_scoped3A = tpu.sem_alloc : memref<!tpu.dma_semaphore, #tpu.memory_space<semaphore_mem>>
          %dma_start3A_61 = arith.constant 0 : i32
          %dma_start3A_62 = tpu.memref_slice %arg4[%add3A_60, %dma_start3A_61] : memref<160000x512xf32, #tpu.memory_space<hbm>> -> memref<40x512xf32, #tpu.memory_space<hbm>>
          %dma_start3A_63 = arith.constant 0 : i32
          %dma_start3A_64 = tpu.memref_slice %arg4[%add3A_60, %dma_start3A_63] : memref<160000x512xf32, #tpu.memory_space<hbm>> -> memref<40x512xf32, #tpu.memory_space<hbm>>
          tpu.enqueue_dma source(%arg6 : memref<40x512xf32, #tpu.memory_space<vmem>>) target(%dma_start3A_64 : memref<40x512xf32, #tpu.memory_space<hbm>>) target_semaphore(%run_scoped3A : memref<!tpu.dma_semaphore, #tpu.memory_space<semaphore_mem>>)
          %dma_wait3A_65 = arith.constant 0 : i32
          %dma_wait3A_66 = tpu.memref_slice %arg4[%add3A_60, %dma_wait3A_65] : memref<160000x512xf32, #tpu.memory_space<hbm>> -> memref<40x512xf32, #tpu.memory_space<hbm>>
          %dma_wait3A_67 = arith.constant 0 : i32
          %dma_wait3A_68 = tpu.memref_slice %arg4[%add3A_60, %dma_wait3A_67] : memref<160000x512xf32, #tpu.memory_space<hbm>> -> memref<40x512xf32, #tpu.memory_space<hbm>>
          tpu.wait_dma2 semaphore(%run_scoped3A : memref<!tpu.dma_semaphore, #tpu.memory_space<semaphore_mem>>) src(%arg6 : memref<40x512xf32, #tpu.memory_space<vmem>>) dst(%dma_wait3A_68 : memref<40x512xf32, #tpu.memory_space<hbm>>)
          tpu.yield
        }) : () -> ()
      } else {
      }
      %jit3A_25 = arith.constant 2 : i32
      %eq3A_26 = arith.constant 0 : i32
      %eq3A_27 = arith.cmpi eq, %jit3A_25, %eq3A_26 : i32
      %jit3A_28 = arith.constant 1 : i32
      %select_n3A_29 = arith.select %eq3A_27, %jit3A_28, %jit3A_25 : i32
      %rem3A_30 = arith.remsi %scan3A_12, %select_n3A_29 : i32
      %ne3A_31 = arith.constant 0 : i32
      %ne3A_32 = arith.cmpi ne, %rem3A_30, %ne3A_31 : i32
      %lt3A_33 = arith.constant 0 : i32
      %lt3A_34 = arith.cmpi slt, %rem3A_30, %lt3A_33 : i32
      %lt3A_35 = arith.constant 0 : i32
      %lt3A_36 = arith.cmpi slt, %select_n3A_29, %lt3A_35 : i32
      %ne3A_37 = arith.xori %lt3A_34, %lt3A_36 : i1
      %and3A_38 = arith.andi %ne3A_37, %ne3A_32 : i1
      %add3A_39 = arith.addi %rem3A_30, %select_n3A_29 : i32
      %select_n3A_40 = arith.select %and3A_38, %add3A_39, %rem3A_30 : i32
      %eq3A_41 = arith.constant 1 : i32
      %eq3A_42 = arith.cmpi eq, %select_n3A_40, %eq3A_41 : i32
      %convert_element_type3A_43 = arith.extui %eq3A_42 : i1 to i32
      %cond3A_44 = arith.constant 0 : i32
      %cond3A_45 = arith.cmpi ne, %convert_element_type3A_43, %cond3A_44 : i32
      scf.if %cond3A_45 {
        %mul3A_46 = arith.constant 40 : i32
        %mul3A_47 = arith.muli %scan3A_12, %mul3A_46 : i32
        %dma_wait3A = tpu.memref_slice %arg5[%mul3A_47] : memref<5000xi32, #tpu.memory_space<vmem>> -> memref<40xi32, #tpu.memory_space<vmem>>
        %dma_wait3A_48 = arith.constant 0 : i32
        %dma_wait3A_49 = arith.constant 0 : i32
        %dma_wait3A_50 = tpu.memref_slice %arg2[%dma_wait3A_48, %dma_wait3A_49] : memref<10000x512xf32, #tpu.memory_space<hbm>> -> memref<10000x512xf32, #tpu.memory_space<hbm>>
        tpu.wait_indirect_dma semaphore(%arg9 : memref<!tpu.dma_semaphore, #tpu.memory_space<semaphore_mem>>) src(%dma_wait3A_50 : memref<10000x512xf32, #tpu.memory_space<hbm>>) dst(%arg7 : memref<40x512xf32, #tpu.memory_space<vmem>>)
        %add3A_51 = arith.constant 1 : i32
        %add3A_52 = arith.addi %scan3A_12, %add3A_51 : i32
        %lt3A_53 = arith.constant 125 : i32
        %lt3A_54 = arith.cmpi slt, %add3A_52, %lt3A_53 : i32
        %convert_element_type3A_55 = arith.extui %lt3A_54 : i1 to i32
        %cond3A_56 = arith.constant 0 : i32
        %cond3A_57 = arith.cmpi ne, %convert_element_type3A_55, %cond3A_56 : i32
        scf.if %cond3A_57 {
          %add3A_61 = arith.constant 1 : i32
          %add3A_62 = arith.addi %scan3A_12, %add3A_61 : i32
          %mul3A_63 = arith.constant 40 : i32
          %mul3A_64 = arith.muli %add3A_62, %mul3A_63 : i32
          %dma_start3A_65 = tpu.memref_slice %arg5[%mul3A_64] : memref<5000xi32, #tpu.memory_space<vmem>> -> memref<40xi32, #tpu.memory_space<vmem>>
          %dma_start3A_66 = arith.constant 0 : i32
          %dma_start3A_67 = arith.constant 0 : i32
          %dma_start3A_68 = tpu.memref_slice %arg2[%dma_start3A_66, %dma_start3A_67] : memref<10000x512xf32, #tpu.memory_space<hbm>> -> memref<10000x512xf32, #tpu.memory_space<hbm>>
          tpu.enqueue_indirect_dma source(%dma_start3A_68 : memref<10000x512xf32, #tpu.memory_space<hbm>>) target(%arg6 : memref<40x512xf32, #tpu.memory_space<vmem>>) offsets(%dma_start3A_65 : memref<40xi32, #tpu.memory_space<vmem>>) semaphore(%arg8 : memref<!tpu.dma_semaphore, #tpu.memory_space<semaphore_mem>>)
        } else {
        }
        %mul3A_58 = arith.constant 40 : i32
        %mul3A_59 = arith.muli %scan3A_12, %mul3A_58 : i32
        %add3A_60 = arith.addi %mul3A_2, %mul3A_59 : i32
        "tpu.region"() ({
          %run_scoped3A = tpu.sem_alloc : memref<!tpu.dma_semaphore, #tpu.memory_space<semaphore_mem>>
          %dma_start3A_61 = arith.constant 0 : i32
          %dma_start3A_62 = tpu.memref_slice %arg4[%add3A_60, %dma_start3A_61] : memref<160000x512xf32, #tpu.memory_space<hbm>> -> memref<40x512xf32, #tpu.memory_space<hbm>>
          %dma_start3A_63 = arith.constant 0 : i32
          %dma_start3A_64 = tpu.memref_slice %arg4[%add3A_60, %dma_start3A_63] : memref<160000x512xf32, #tpu.memory_space<hbm>> -> memref<40x512xf32, #tpu.memory_space<hbm>>
          tpu.enqueue_dma source(%arg7 : memref<40x512xf32, #tpu.memory_space<vmem>>) target(%dma_start3A_64 : memref<40x512xf32, #tpu.memory_space<hbm>>) target_semaphore(%run_scoped3A : memref<!tpu.dma_semaphore, #tpu.memory_space<semaphore_mem>>)
          %dma_wait3A_65 = arith.constant 0 : i32
          %dma_wait3A_66 = tpu.memref_slice %arg4[%add3A_60, %dma_wait3A_65] : memref<160000x512xf32, #tpu.memory_space<hbm>> -> memref<40x512xf32, #tpu.memory_space<hbm>>
          %dma_wait3A_67 = arith.constant 0 : i32
          %dma_wait3A_68 = tpu.memref_slice %arg4[%add3A_60, %dma_wait3A_67] : memref<160000x512xf32, #tpu.memory_space<hbm>> -> memref<40x512xf32, #tpu.memory_space<hbm>>
          tpu.wait_dma2 semaphore(%run_scoped3A : memref<!tpu.dma_semaphore, #tpu.memory_space<semaphore_mem>>) src(%arg7 : memref<40x512xf32, #tpu.memory_space<vmem>>) dst(%dma_wait3A_68 : memref<40x512xf32, #tpu.memory_space<hbm>>)
          tpu.yield
        }) : () -> ()
      } else {
      }
    }
    %scan3A_11 = arith.constant 125 : i32
    return
  }
}

</mosaic_0001>

<sc_bundles>
// kernel: _sc_gather.3.cloned.1.call-start
scs
__scs_entry_jumppad:
0x0: {  	(pc) =	sbr.rel $0x88, $3  }
0x1: {  	(tag) =	ssettag $0x0;
	lr =	simm.s32 $0x1  }
0x2: {  	[smem:$0x3F9F] =	sst lr;
	_ =	strace $0xD0000000  }
0x3: {  	_ = 	snop  }
0x4: {  	_ = 	snop  }
0x5: {  	_ = 	snop  }
0x6: {  	_ = 	snop  }
0x7: {  	_ = 	snop  }
__scs_overlays_trampoline_lowered:
0x8: {  	[smem:$0x3FAE] =	sst s0  }
0x9: {  	[smem:$0x3FAF] =	sst s1  }
0xa: {  	[smem:$0x3FB0] =	sst s2  }
0xb: {  	[smem:$0x3FB1] =	sst s3  }
0xc: {  	[smem:$0x3FB2] =	sst s4  }
0xd: {  	[smem:$0x3FB3] =	sst s5  }
0xe: {  	[smem:$0x3FB4] =	sst s6  }
0xf: {  	[smem:$0x3FB5] =	sst s7  }
0x10: {  	[smem:$0x3FB6] =	sst s8  }
0x11: {  	[smem:$0x3FB7] =	sst s9;
	s0 =	simm.s32 @!p0 $0x0  }
0x12: {  	s1 =	sld [smem:$0x3F9D];
	s0 =	simm.s32 @p0 $0x1  }
0x13: {  	[smem:$0x3FB8] =	sst s0;
	s0 =	simm.s32 @!p1 $0x0  }
0x14: {  	s2 =	sld [smem:$0x3F9C];
	s0 =	simm.s32 @p1 $0x1  }
0x15: {  	[smem:$0x3FB9] =	sst s0;
	s0 =	simm.s32 @!p2 $0x0  }
0x16: {  	s3 =	sld [smem:$0x3FDB];
	s0 =	simm.s32 @p2 $0x1  }
0x17: {  	s4 =	simm.s32 $0x1BF5;
	[smem:$0x3FBB] =	sst s0  }
0x18: {  	s0 =	sld [smem:$0x3F9E];
	_ =	swait.ge [sflag:s4], $0x0  }
0x19: {  	s7 =	sld [smem:$0x3F9F]  }
0x1a: {  	s8 =	sadd.s32 $0xFFFFE003, lr  }
0x1b: {  	s9 =	sadd.s32 $0xFFFFFEF7, lr;
	s5 =	simm.s32 $0xFFFFFFFF;
	p2 =	slt.u32 s8, $0xFFFFF086  }
0x1c: {  	p1 =	slt.u32 s9, $0xF7A;
	s5 =	simm.s32 @!p2 $0x0  }
0x1d: {  	s5 =	simm.s32 @p1 $0x1;
	p0 =	seq.s32 s7, s2  }
0x1e: {  	s7 =	smul.u32 @!p0 $0xF7A, s2;
	p2 =	seq.s32 @!p0 s5, $0x0  }
0x1f: {  	s9 =	smul.u32 $0xF7A, s1;
	s8 =	simm.s32 @!p0 $0x1BF5;
	p2 =	por !p2, p0  }
0x20: {  	[sflag:s8] =	ssyncset.s32 @!p0 $0xFFFFF086;
	s6 =	sadd.s32 @!p0 s3, s7;
	s7 =	simm.s32 @!p0 $0x108  }
0x21: {  	s3 =	sadd.s32 s3, s9;
	s6 =	sadd.s32 @!p0 $0x88, s6;
	s7 =	simm.s32 @p2 $0x1082  }
0x22: {  	[simem:s7], [sflag:s8] =	dma.local @!p0 [hbm:s6], $0xF7A  }
0x23: {  	s9 =	sor.u32 $0xD0000000, s2;
	s6 =	simm.s32 $0x108;
	_ =	swait.ge @!p0 [sflag:s8], $0x0  }
0x24: {  	s3 =	sadd.s32 $0x88, s3;
	s6 =	simm.s32 @!p1 $0x1082;
	[sflag:s4] =	ssyncset.s32 $0xFFFFF086  }
0x25: {  	[simem:s6], [sflag:s4] =	dma.local [hbm:s3], $0xF7A  }
0x26: {  	[smem:$0x3F9F] =	sst s1;
	(tag) =	ssettag s2;
	_ =	strace s9  }
0x27: {  	s1 =	sld [smem:$0x3FAF]  }
0x28: {  	s2 =	sld [smem:$0x3FB0]  }
0x29: {  	s4 =	sld [smem:$0x3FB2]  }
0x2a: {  	p0 =	seq.s32 s5, $0x0;
	s5 =	sld [smem:$0x3FB3]  }
0x2b: {  	s6 =	sld [smem:$0x3FB4]  }
0x2c: {  	s7 =	sld [smem:$0x3FB5]  }
0x2d: {  	s3 =	simm.s32 $0x108;
	s8 =	sld [smem:$0x3FB6]  }
0x2e: {  	s3 =	simm.s32 @!p0 $0x1082;
	s9 =	sld [smem:$0x3FB7]  }
0x2f: {  	lr =	sadd.s32 s0, s3;
	s0 =	sld [smem:$0x3FAE]  }
0x30: {  	s3 =	sld [smem:$0x3FB1]  }
0x31: {  	[smem:$0x3FBA] =	sst s10  }
0x32: {  	s10 =	sld [smem:$0x3FB8];
	_ =	sdelay $0x3  }
0x33: {  	p0 =	seq.s32 s10, $0x1;
	s10 =	sld [smem:$0x3FBA];
	_ =	sdelay $0x3  }
0x34: {  	[smem:$0x3FBA] =	sst s10  }
0x35: {  	s10 =	sld [smem:$0x3FB9];
	_ =	sdelay $0x3  }
0x36: {  	p1 =	seq.s32 s10, $0x1;
	s10 =	sld [smem:$0x3FBA];
	_ =	sdelay $0x3  }
0x37: {  	[smem:$0x3FBA] =	sst s10  }
0x38: {  	s10 =	sld [smem:$0x3FBB]  }
0x39: {  	_ = 	snop;
	(pc) =	sbr.ind lr, $3  }
0x3a: {  	_ = 	snop  }
0x3b: {  	_ = 	snop  }
0x3c: {  	p2 =	seq.s32 s10, $0x1;
	s10 =	sld [smem:$0x3FBA]  }
0x3d: {  	_ =	shalt  }
0x3e: {  	_ =	shalt  }
0x3f: {  	_ =	shalt  }
0x40: {  	_ =	shalt  }
0x41: {  	_ =	shalt  }
0x42: {  	_ =	shalt  }
0x43: {  	_ =	shalt  }
0x44: {  	_ =	shalt  }
0x45: {  	_ =	shalt  }
0x46: {  	_ =	shalt  }
0x47: {  	_ =	shalt  }
0x48: {  	_ =	shalt  }
0x49: {  	_ =	shalt  }
0x4a: {  	_ =	shalt  }
0x4b: {  	_ =	shalt  }
0x4c: {  	_ =	shalt  }
0x4d: {  	_ =	shalt  }
0x4e: {  	_ =	shalt  }
0x4f: {  	_ =	shalt  }
0x50: {  	_ =	shalt  }
0x51: {  	_ =	shalt  }
0x52: {  	_ =	shalt  }
0x53: {  	_ =	shalt  }
0x54: {  	_ =	shalt  }
0x55: {  	_ =	shalt  }
0x56: {  	_ =	shalt  }
0x57: {  	_ =	shalt  }
0x58: {  	_ =	shalt  }
0x59: {  	_ =	shalt  }
0x5a: {  	_ =	shalt  }
0x5b: {  	_ =	shalt  }
0x5c: {  	_ =	shalt  }
0x5d: {  	_ =	shalt  }
0x5e: {  	_ =	shalt  }
0x5f: {  	_ =	shalt  }
0x60: {  	_ =	shalt  }
0x61: {  	_ =	shalt  }
0x62: {  	_ =	shalt  }
0x63: {  	_ =	shalt  }
0x64: {  	_ =	shalt  }
0x65: {  	_ =	shalt  }
0x66: {  	_ =	shalt  }
0x67: {  	_ =	shalt  }
0x68: {  	_ =	shalt  }
0x69: {  	_ =	shalt  }
0x6a: {  	_ =	shalt  }
0x6b: {  	_ =	shalt  }
0x6c: {  	_ =	shalt  }
0x6d: {  	_ =	shalt  }
0x6e: {  	_ =	shalt  }
0x6f: {  	_ =	shalt  }
0x70: {  	_ =	shalt  }
0x71: {  	_ =	shalt  }
0x72: {  	_ =	shalt  }
0x73: {  	_ =	shalt  }
0x74: {  	_ =	shalt  }
0x75: {  	_ =	shalt  }
0x76: {  	_ =	shalt  }
0x77: {  	_ =	shalt  }
0x78: {  	_ =	shalt  }
0x79: {  	_ =	shalt  }
0x7a: {  	_ =	shalt  }
0x7b: {  	_ =	shalt  }
0x7c: {  	_ =	shalt  }
0x7d: {  	_ =	shalt  }
0x7e: {  	_ =	shalt  }
0x7f: {  	_ =	shalt  }
0x80: {  	_ =	shalt  }
0x81: {  	_ =	shalt  }
0x82: {  	_ =	shalt  }
0x83: {  	_ =	shalt  }
0x84: {  	_ =	shalt  }
0x85: {  	_ =	shalt  }
0x86: {  	_ =	shalt  }
0x87: {  	_ =	shalt  }
.Lfunc_end0:
.L_simem_size_0:
called_computation_lowered:
.L_overlay_start_0:
0x88: {  	s2 =	sld [smem:$0x3FD9]  }
0x89: {  	s3 =	sld [smem:$0x3FFE];
	_ =	sdelay $0x1  }
0x8a: {  	s1 =	srdreg.scid  }
0x8b: {  	s0 =	sand.u32 $0x1, s1  }
0x8c: {  	s18 =	sshll.u32 s0, $0xA;
	s2 =	sadd.s32 s3, s2  }
0x8d: {  	s2 =	sadd.s32 s2, s18  }
0x8e: {  	[smem:$0x3FC6] =	sst s2  }
0x8f: {  	_ = 	snop  }
0x90: {  	s2 =	sld [smem:$0x3FC9]  }
0x91: {  	s19 =	sld [smem:$0x3FC8]  }
0x92: {  	s4 =	sld [smem:$0x3FD0];
	(tm) =	ssettm $0x1  }
0x93: {  	s5 =	sld [smem:$0x3FFB];
	_ =	sdelay $0x3  }
0x94: {  	_ =	strace s5  }
0x95: {  	s5 =	sld [smem:$0x3FFC];
	_ =	sdelay $0x3  }
0x96: {  	_ =	strace s5  }
0x97: {  	s5 =	sld [smem:$0x3FFD];
	_ =	sdelay $0x3  }
0x98: {  	_ =	strace s5  }
0x99: {  	_ =	strace $0x8FFFFFFF  }
0x9a: {  	s20 =	sld [smem:$0x3FDB];
	_ =	sdelay $0x1  }
0x9b: {  	s6 =	simm.s32 $_scs_section_size  }
0x9c: {  	s7 =	simm.s32 $_size__tile_overlayer_lowered;
	s8 =	simm.s32 $_tile_overlayer_lowered  }
0x9d: {  	s23 =	simm.s32 $0x1BFF;
	s22 =	sshll.u32 s8, $0x1;
	s5 =	sadd.s32 s6, s20  }
0x9e: {  	s9 =	simm.s32 $0x0;
	s21 =	sshll.u32 s7, $0x1;
	s7 =	sadd.s32 s22, s5  }
0x9f: {  	[timem:s9], [sflag:s23] =	dma.local [hbm:s7], s21  }
0xa0: {  	_ =	swait.ge [sflag:s23], s21  }
0xa1: {  	s6 =	ssub.s32 $0x0, s21;
	[sflag:s23] =	ssyncset.done $0x0  }
0xa2: {  	[sflag:s23] =	ssyncadd.s32 s6;
	_ =	sdelay $0x1  }
0xa3: {  	s24 =	simm.s32 $0x1B8B  }
0xa4: {  	_ =	swait.ge [sflag:s24], $0x1  }
0xa5: {  	[sflag:s24] =	ssyncset.done $0x0  }
0xa6: {  	s25 =	simm.s32 $0x1B8E;
	[sflag:s24] =	ssyncadd.s32 $0xFFFFFFFF  }
0xa7: {  	s26 =	simm.s32 $execute0_lowered;
	[smem:$0x3FD2] =	sst s25  }
0xa8: {  	s6 =	sshll.u32 s26, $0x1;
	_ =	strace $0x80000046;
	[dreg:$0x1] =	wrdreg $0xFFFFFFFF  }
0xa9: {  	s28 =	simm.s32 $_size_execute0_lowered;
	s5 =	sadd.s32 s5, s6;
	[dreg:$0x0] =	wrdreg $0x0  }
0xaa: {  	s6 =	sshll.u32 s28, $0x1;
	[dreg:$0x2] =	wrdreg s5  }
0xab: {  	[dreg:$0x3] =	wrdreg s6  }
0xac: {  	[dreg:$0x4] =	wrdreg $0xC0  }
0xad: {  	_ =	task [dreg:s9], $0x5FFFF  }
0xae: {  	[dreg:$0x1] =	wrdreg $0xFFFFFFFF  }
0xaf: {  	[dreg:$0x0] =	wrdreg $0x60  }
0xb0: {  	[dreg:$0x2] =	wrdreg s2  }
0xb1: {  	[dreg:$0x3] =	wrdreg s19  }
0xb2: {  	[dreg:$0x4] =	wrdreg s4  }
0xb3: {  	[dreg:$0x5] =	wrdreg $0x9  }
0xb4: {  	_ =	task.clear_ibuf [dreg:s9], $0x6FFFF;
	_ =	strace $0x90000046  }
0xb5: {  	s29 =	simm.s32 $0x9;
	_ =	strace $0x80000048  }
0xb6: {  	_ =	swait.ge [sflag:s29], $0x1  }
0xb7: {  	[sflag:s29] =	ssyncadd.s32 $0xFFFFFFFF  }
0xb8: {  	_ =	strace $0x90000048  }
0xb9: {  	_ =	sfence  }
0xba: {  	s30 =	sld [smem:$0x0];
	_ =	sdelay $0x2  }
0xbb: {  	s31 =	sshll.u32 s1, $0xD;
	s1 =	sshrl.u32 s1, $0x2  }
0xbc: {  	s3 =	sand.u32 $0x4000, s31;
	s1 =	sadd.s32 s1, s30  }
0xbd: {  	s0 =	sor.u32 s3, s0;
	s1 =	sshll.u32 s1, $0x11  }
0xbe: {  	s0 =	sor.u32 s1, s0  }
0xbf: {  	s0 =	sadd.s32 $0x8F2B, s0  }
0xc0: {  	[sflag:s0] =	ssyncadd.remote.s32 $0x1  }
0xc1: {  	_ =	sfence.sel $0xFFFF  }
0xc2: {  	[dreg:$0x0] =	wrdreg $0xFFFFFFFF;
	(pc) =	sbr.abs _section_cstart, $3  }
0xc3: {  	[dreg:$0x1] =	wrdreg $0xFFFFFFFF  }
0xc4: {  	_ =	task.clear_ibuf [dreg:s9], $0x2FFFF;
	_ =	strace $0x9FFFFFFF  }
0xc5: {  	(tm) =	ssettm $0x7FFFFFFF  }
tec
execute0_lowered:
.L_overlay_start_1:
0x0: {  	(tag) =	ssettag $0x1  }
0x1: {  	s1 =	rddreg [dreg:$0x0]  }
0x2: {  	s4 =	rddreg [dreg:$0x1];
	s2 =	srdreg.scid  }
0x3: {  	s0 =	stileid.u32;
	s5 =	rddreg [dreg:$0x2];
	s3 =	simm.s32 $0x0  }
0x4: {  	s12 =	simm.s32 $0x2C00;
	s13 =	simm.s32 $0x3400;
	s14 =	simm.s32 $0x3C00  }
0x5: {  	s15 =	simm.s32 $0x4400;
	s16 =	simm.s32 $0x4C00;
	s17 =	simm.s32 $0x5400  }
0x6: {  	s18 =	simm.s32 $0x5C00;
	s19 =	simm.s32 $0x0;
	s6 =	sand.u32 $0x1, s2  }
0x7: {  	s7 =	sshll.u32 s0, $0x1;
	s2 =	rddreg [dreg:$0x3];
	s9 =	smul.u32 $0x9C400, s0  }
0x8: {  	[smem:$0x7FF] =	sst s3;
	s7 =	sor.u32 s6, s7;
	s11 =	smul.u32 $0x4E200, s6  }
0x9: {  	_ =	strace $0x80000047;
	s8 =	ssub.s32 $0x2, s6;
	s7 =	smul.u32 $0x1388, s7  }
0xa: {  	s10 =	sshrl.u32 s8, $0x1;
	s31 =	sadd.s32 s9, s5;
	s5 =	sadd.s32 $0x100, s1  }
0xb: {  	v2 =	vlaneseq.u32;
	s9 =	simm.s32 $0x1400;
	s30 =	ssub.s32 s8, s10;
	s8 =	simm.s32 $0x3  }
0xc: {  	vm0 =	vmmov $0xffff;
	v1 =	vshrl.u32 v2, $0x3;
	s10 =	simm.s32 $0x1C00;
	s7 =	sshrl.u32 s7, $0x3;
	s6 =	smax.u32 s30, $0x1  }
0xd: {  	v0 =	vand.u32 $0x7, v2;
	v2 =	vor.u32 $0x8, v2;
	v1 =	vmul.u32 $0x8, v1;
	s4 =	sadd.s32 s4, s7;
	s7 =	sadd.s32 s11, s31;
	s11 =	simm.s32 $0x2400  }
.LBB2_1:
0xe: {  	[tilespmem:s3], [sflag:$0x3] =	stream.linear.gather [hbm4b:s4+s3], $0x1388, $0x38;
	[tilespmem:$0xB400] =	vst v63  }
0xf: {  	_ =	swait.ge [sflag:s8], $0x1388  }
0x10: {  	[sflag:s8] =	ssyncset.done $0x0  }
0x11: {  	[sflag:s8] =	ssyncadd.s32 $0xFFFFEC78  }
0x12: {  	v3 =	vld [tilespmem:$0x0];
	_ =	sdelay $0x4  }
0x13: {  	v4 =	vshll.u32 v3, $0x2  }
0x14: {  	v3 =	vand.u32 $0x7, v3;
	v4 =	vand.u32 $0xFFFFFFE0, v4  }
0x15: {  	v3 =	vor.u32 v3, v4  }
0x16: {  	v4 =	vperm.xlane v3, v0;
	_ =	sdelay $0x1  }
0x17: {  	v4 =	vadd.s32 v1, v4;
	_ =	sdelay $0x1  }
0x18: {  	v3 =	vperm.xlane v3, v2;
	_ =	sdelay $0x1  }
0x19: {  	v3 =	vadd.s32 v1, v3  }
0x1a: {  	[tilespmem:s9], [sflag:$0x1] =	stream.indirect_vreg.gather [hbm4b:s1+s3], $0x80, v4, vm0, $0xb8;
	[tilespmem:$0xB400] =	vst v63  }
0x1b: {  	_ = 	snop  }
0x1c: {  	[tilespmem:s10], [sflag:$0x1] =	stream.indirect_vreg.gather [hbm4b:s5+s3], $0x80, v4, vm0, $0xb8;
	[tilespmem:$0xB400] =	vst v63  }
0x1d: {  	_ = 	snop  }
0x1e: {  	[tilespmem:s11], [sflag:$0x1] =	stream.indirect_vreg.gather [hbm4b:s1+s3], $0x80, v3, vm0, $0xb8;
	[tilespmem:$0xB400] =	vst v63  }
0x1f: {  	_ = 	snop  }
0x20: {  	[tilespmem:s12], [sflag:$0x1] =	stream.indirect_vreg.gather [hbm4b:s5+s3], $0x80, v3, vm0, $0xb8;
	[tilespmem:$0xB400] =	vst v63  }
0x21: {  	v3 =	vld [tilespmem:$0x10];
	_ =	sdelay $0x4  }
0x22: {  	v62 =	vshll.u32 v3, $0x2  }
0x23: {  	v3 =	vand.u32 $0x7, v3;
	v4 =	vand.u32 $0xFFFFFFE0, v62  }
0x24: {  	v3 =	vor.u32 v3, v4  }
0x25: {  	v4 =	vperm.xlane v3, v0;
	_ =	sdelay $0x1  }
0x26: {  	v4 =	vadd.s32 v1, v4;
	_ =	sdelay $0x1  }
0x27: {  	v3 =	vperm.xlane v3, v2;
	_ =	sdelay $0x1  }
0x28: {  	v3 =	vadd.s32 v1, v3  }
0x29: {  	[tilespmem:s13], [sflag:$0x1] =	stream.indirect_vreg.gather [hbm4b:s1+s3], $0x80, v4, vm0, $0xb8;
	[tilespmem:$0xB400] =	vst v63  }
0x2a: {  	_ = 	snop  }
0x2b: {  	[tilespmem:s14], [sflag:$0x1] =	stream.indirect_vreg.gather [hbm4b:s5+s3], $0x80, v4, vm0, $0xb8;
	[tilespmem:$0xB400] =	vst v63  }
0x2c: {  	_ = 	snop  }
0x2d: {  	[tilespmem:s15], [sflag:$0x1] =	stream.indirect_vreg.gather [hbm4b:s1+s3], $0x80, v3, vm0, $0xb8;
	[tilespmem:$0xB400] =	vst v63  }
0x2e: {  	_ = 	snop  }
0x2f: {  	[tilespmem:s16], [sflag:$0x1] =	stream.indirect_vreg.gather [hbm4b:s5+s3], $0x80, v3, vm0, $0xb8;
	[tilespmem:$0xB400] =	vst v63  }
0x30: {  	v3 =	vld.msk [tilespmem:$0x20], $0xff;
	_ =	sdelay $0x4  }
0x31: {  	v63 =	vshll.u32 v3, $0x2  }
0x32: {  	v3 =	vand.u32 $0x7, v3;
	v4 =	vand.u32 $0xFFFFFFE0, v63  }
0x33: {  	v3 =	vor.u32 v3, v4  }
0x34: {  	v3 =	vperm.xlane v3, v0;
	_ =	sdelay $0x1  }
0x35: {  	v3 =	vadd.s32 v1, v3;
	_ =	sdelay $0x4  }
0x36: {  	[tilespmem:s17], [sflag:$0x1] =	stream.indirect_vreg.gather [hbm4b:s1+s3], $0x80, v3, vm0, $0xb8;
	[tilespmem:$0xB400] =	vst v63  }
0x37: {  	s20 =	simm.s32 $0x1;
	s21 =	simm.s32 $0x48;
	s22 =	smov.u32 s7  }
0x38: {  	[tilespmem:s18], [sflag:$0x1] =	stream.indirect_vreg.gather [hbm4b:s5+s3], $0x80, v3, vm0, $0xb8;
	[tilespmem:$0xB400] =	vst v63  }
.LBB2_2:
0x39: {  	s23 =	sand.u32 $0x1, s20  }
0x3a: {  	p0 =	seq.s32 s23, $0x0  }
0x3b: {  	s23 =	simm.s32 @p0 $0x2  }
0x3c: {  	_ =	swait.ge @p0 [sflag:s23], $0x5000  }
0x3d: {  	[sflag:s23] =	ssyncset.done @p0 $0x0  }
0x3e: {  	[sflag:s23] =	ssyncadd.s32 @p0 $0xFFFFB000  }
0x3f: {  	v3 =	vld @p0 [tilespmem:s21+$0xFFFFFFE0];
	_ =	sdelay $0x4  }
0x40: {  	v4 =	vshll.u32 @p0 v3, $0x2  }
0x41: {  	v5 =	vlaneseq.u32 @p0;
	v3 =	vand.u32 @p0 $0x7, v3;
	v4 =	vand.u32 @p0 $0xFFFFFFE0, v4  }
0x42: {  	v6 =	vshrl.u32 @p0 v5, $0x3;
	v3 =	vor.u32 @p0 v3, v4;
	v4 =	vand.u32 @p0 $0x7, v5  }
0x43: {  	v6 =	vmul.u32 @p0 $0x8, v6;
	v7 =	vperm.xlane @p0 v3, v4;
	_ =	sdelay $0x1  }
0x44: {  	v7 =	vadd.s32 @p0 v6, v7  }
0x45: {  	v5 =	vor.u32 @p0 $0x8, v5  }
0x46: {  	v3 =	vperm.xlane @p0 v3, v5;
	_ =	sdelay $0x1  }
0x47: {  	vm1 =	vmmov @p0 $0xffff;
	s24 =	simm.s32 @p0 $0x1400;
	s23 =	simm.s32 @p0 $0x0;
	v3 =	vadd.s32 @p0 v6, v3  }
0x48: {  	[tilespmem:s24], [sflag:$0x1] =	stream.indirect_vreg.gather @p0 [hbm4b:s1+s23], $0x80, v7, vm1, $0xb8;
	[tilespmem:$0xB400] =	vst v63  }
0x49: {  	s24 =	simm.s32 @p0 $0x1C00  }
0x4a: {  	[tilespmem:s24], [sflag:$0x1] =	stream.indirect_vreg.gather @p0 [hbm4b:s5+s23], $0x80, v7, vm1, $0xb8;
	[tilespmem:$0xB400] =	vst v63  }
0x4b: {  	s24 =	simm.s32 @p0 $0x2400  }
0x4c: {  	[tilespmem:s24], [sflag:$0x1] =	stream.indirect_vreg.gather @p0 [hbm4b:s1+s23], $0x80, v3, vm1, $0xb8;
	[tilespmem:$0xB400] =	vst v63  }
0x4d: {  	s24 =	simm.s32 @p0 $0x2C00  }
0x4e: {  	[tilespmem:s24], [sflag:$0x1] =	stream.indirect_vreg.gather @p0 [hbm4b:s5+s23], $0x80, v3, vm1, $0xb8;
	[tilespmem:$0xB400] =	vst v63  }
0x4f: {  	v3 =	vld @p0 [tilespmem:s21+$0xFFFFFFF0];
	_ =	sdelay $0x4  }
0x50: {  	v7 =	vshll.u32 @p0 v3, $0x2  }
0x51: {  	v3 =	vand.u32 @p0 $0x7, v3;
	v7 =	vand.u32 @p0 $0xFFFFFFE0, v7  }
0x52: {  	v3 =	vor.u32 @p0 v3, v7  }
0x53: {  	v7 =	vperm.xlane @p0 v3, v4;
	_ =	sdelay $0x1  }
0x54: {  	v7 =	vadd.s32 @p0 v6, v7;
	_ =	sdelay $0x1  }
0x55: {  	v3 =	vperm.xlane @p0 v3, v5;
	_ =	sdelay $0x1  }
0x56: {  	s24 =	simm.s32 @p0 $0x3400;
	v3 =	vadd.s32 @p0 v6, v3  }
0x57: {  	[tilespmem:s24], [sflag:$0x1] =	stream.indirect_vreg.gather @p0 [hbm4b:s1+s23], $0x80, v7, vm1, $0xb8;
	[tilespmem:$0xB400] =	vst v63  }
0x58: {  	s24 =	simm.s32 @p0 $0x3C00  }
0x59: {  	[tilespmem:s24], [sflag:$0x1] =	stream.indirect_vreg.gather @p0 [hbm4b:s5+s23], $0x80, v7, vm1, $0xb8;
	[tilespmem:$0xB400] =	vst v63  }
0x5a: {  	s24 =	simm.s32 @p0 $0x4400  }
0x5b: {  	[tilespmem:s24], [sflag:$0x1] =	stream.indirect_vreg.gather @p0 [hbm4b:s1+s23], $0x80, v3, vm1, $0xb8;
	[tilespmem:$0xB400] =	vst v63  }
0x5c: {  	s24 =	simm.s32 @p0 $0x4C00  }
0x5d: {  	[tilespmem:s24], [sflag:$0x1] =	stream.indirect_vreg.gather @p0 [hbm4b:s5+s23], $0x80, v3, vm1, $0xb8;
	[tilespmem:$0xB400] =	vst v63  }
0x5e: {  	v3 =	vld.msk @p0 [tilespmem:s21+$0x0], $0xff;
	_ =	sdelay $0x4  }
0x5f: {  	v5 =	vshll.u32 @p0 v3, $0x2  }
0x60: {  	v3 =	vand.u32 @p0 $0x7, v3;
	v5 =	vand.u32 @p0 $0xFFFFFFE0, v5  }
0x61: {  	v3 =	vor.u32 @p0 v3, v5  }
0x62: {  	v3 =	vperm.xlane @p0 v3, v4;
	_ =	sdelay $0x1  }
0x63: {  	v3 =	vadd.s32 @p0 v6, v3;
	_ =	sdelay $0x3  }
0x64: {  	s24 =	simm.s32 @p0 $0x5400  }
0x65: {  	[tilespmem:s24], [sflag:$0x1] =	stream.indirect_vreg.gather @p0 [hbm4b:s1+s23], $0x80, v3, vm1, $0xb8;
	[tilespmem:$0xB400] =	vst v63  }
0x66: {  	s24 =	simm.s32 @p0 $0x5C00  }
0x67: {  	[tilespmem:s24], [sflag:$0x1] =	stream.indirect_vreg.gather @p0 [hbm4b:s5+s23], $0x80, v3, vm1, $0xb8;
	[tilespmem:$0xB400] =	vst v63  }
0x68: {  	s24 =	simm.s32 @p0 $0x6400  }
0x69: {  	[hbm4b:s22+s23] =	stream.linear.scatter @p0 [tilespmem:s24], [sflag:$0x3], $0x5000, $0x38;
	[tilespmem:$0xB400] =	vst v63  }
0x6a: {  	s23 =	simm.s32 @!p0 $0x1  }
0x6b: {  	_ =	swait.ge @!p0 [sflag:s23], $0x5000  }
0x6c: {  	p1 =	sgt.u32 @!p0 s20, $0x7C;
	[sflag:s23] =	ssyncset.done @!p0 $0x0  }
0x6d: {  	p1 =	por p1, p0;
	[sflag:s23] =	ssyncadd.s32 @!p0 $0xFFFFB000  }
0x6e: {  	v3 =	vld @!p1 [tilespmem:s21+$0xFFFFFFE0];
	_ =	sdelay $0x4  }
0x6f: {  	v4 =	vshll.u32 @!p1 v3, $0x2  }
0x70: {  	v5 =	vlaneseq.u32 @!p1;
	v3 =	vand.u32 @!p1 $0x7, v3;
	v4 =	vand.u32 @!p1 $0xFFFFFFE0, v4  }
0x71: {  	v6 =	vshrl.u32 @!p1 v5, $0x3;
	v3 =	vor.u32 @!p1 v3, v4;
	v4 =	vand.u32 @!p1 $0x7, v5  }
0x72: {  	v6 =	vmul.u32 @!p1 $0x8, v6;
	v7 =	vperm.xlane @!p1 v3, v4;
	_ =	sdelay $0x1  }
0x73: {  	v7 =	vadd.s32 @!p1 v6, v7  }
0x74: {  	v5 =	vor.u32 @!p1 $0x8, v5  }
0x75: {  	v3 =	vperm.xlane @!p1 v3, v5;
	_ =	sdelay $0x1  }
0x76: {  	vm1 =	vmmov @!p1 $0xffff;
	s24 =	simm.s32 @!p1 $0x6400;
	s23 =	simm.s32 @!p1 $0x0;
	v3 =	vadd.s32 @!p1 v6, v3  }
0x77: {  	[tilespmem:s24], [sflag:$0x2] =	stream.indirect_vreg.gather @!p1 [hbm4b:s1+s23], $0x80, v7, vm1, $0xb8;
	[tilespmem:$0xB400] =	vst v63  }
0x78: {  	s24 =	simm.s32 @!p1 $0x6C00  }
0x79: {  	[tilespmem:s24], [sflag:$0x2] =	stream.indirect_vreg.gather @!p1 [hbm4b:s5+s23], $0x80, v7, vm1, $0xb8;
	[tilespmem:$0xB400] =	vst v63  }
0x7a: {  	s24 =	simm.s32 @!p1 $0x7400  }
0x7b: {  	[tilespmem:s24], [sflag:$0x2] =	stream.indirect_vreg.gather @!p1 [hbm4b:s1+s23], $0x80, v3, vm1, $0xb8;
	[tilespmem:$0xB400] =	vst v63  }
0x7c: {  	s24 =	simm.s32 @!p1 $0x7C00  }
0x7d: {  	[tilespmem:s24], [sflag:$0x2] =	stream.indirect_vreg.gather @!p1 [hbm4b:s5+s23], $0x80, v3, vm1, $0xb8;
	[tilespmem:$0xB400] =	vst v63  }
0x7e: {  	v3 =	vld @!p1 [tilespmem:s21+$0xFFFFFFF0];
	_ =	sdelay $0x4  }
0x7f: {  	v7 =	vshll.u32 @!p1 v3, $0x2  }
0x80: {  	v3 =	vand.u32 @!p1 $0x7, v3;
	v7 =	vand.u32 @!p1 $0xFFFFFFE0, v7  }
0x81: {  	v3 =	vor.u32 @!p1 v3, v7  }
0x82: {  	v7 =	vperm.xlane @!p1 v3, v4;
	_ =	sdelay $0x1  }
0x83: {  	v7 =	vadd.s32 @!p1 v6, v7;
	_ =	sdelay $0x1  }
0x84: {  	v3 =	vperm.xlane @!p1 v3, v5;
	_ =	sdelay $0x1  }
0x85: {  	s24 =	simm.s32 @!p1 $0x8400;
	v3 =	vadd.s32 @!p1 v6, v3  }
0x86: {  	[tilespmem:s24], [sflag:$0x2] =	stream.indirect_vreg.gather @!p1 [hbm4b:s1+s23], $0x80, v7, vm1, $0xb8;
	[tilespmem:$0xB400] =	vst v63  }
0x87: {  	s24 =	simm.s32 @!p1 $0x8C00  }
0x88: {  	[tilespmem:s24], [sflag:$0x2] =	stream.indirect_vreg.gather @!p1 [hbm4b:s5+s23], $0x80, v7, vm1, $0xb8;
	[tilespmem:$0xB400] =	vst v63  }
0x89: {  	s24 =	simm.s32 @!p1 $0x9400  }
0x8a: {  	[tilespmem:s24], [sflag:$0x2] =	stream.indirect_vreg.gather @!p1 [hbm4b:s1+s23], $0x80, v3, vm1, $0xb8;
	[tilespmem:$0xB400] =	vst v63  }
0x8b: {  	s24 =	simm.s32 @!p1 $0x9C00  }
0x8c: {  	[tilespmem:s24], [sflag:$0x2] =	stream.indirect_vreg.gather @!p1 [hbm4b:s5+s23], $0x80, v3, vm1, $0xb8;
	[tilespmem:$0xB400] =	vst v63  }
0x8d: {  	v3 =	vld.msk @!p1 [tilespmem:s21+$0x0], $0xff;
	_ =	sdelay $0x4  }
0x8e: {  	v5 =	vshll.u32 @!p1 v3, $0x2  }
0x8f: {  	v3 =	vand.u32 @!p1 $0x7, v3;
	v5 =	vand.u32 @!p1 $0xFFFFFFE0, v5  }
0x90: {  	v3 =	vor.u32 @!p1 v3, v5  }
0x91: {  	v3 =	vperm.xlane @!p1 v3, v4;
	_ =	sdelay $0x1  }
0x92: {  	v3 =	vadd.s32 @!p1 v6, v3;
	_ =	sdelay $0x3  }
0x93: {  	s24 =	simm.s32 @!p1 $0xA400  }
0x94: {  	[tilespmem:s24], [sflag:$0x2] =	stream.indirect_vreg.gather @!p1 [hbm4b:s1+s23], $0x80, v3, vm1, $0xb8;
	[tilespmem:$0xB400] =	vst v63  }
0x95: {  	s24 =	simm.s32 @!p1 $0xAC00  }
0x96: {  	[tilespmem:s24], [sflag:$0x2] =	stream.indirect_vreg.gather @!p1 [hbm4b:s5+s23], $0x80, v3, vm1, $0xb8;
	[tilespmem:$0xB400] =	vst v63  }
0x97: {  	s23 =	simm.s32 @!p0 $0x0;
	s24 =	simm.s32 @!p0 $0x1400  }
0x98: {  	[hbm4b:s22+s23] =	stream.linear.scatter @!p0 [tilespmem:s24], [sflag:$0x4], $0x5000, $0x38;
	[tilespmem:$0xB400] =	vst v63  }
0x99: {  	s20 =	sadd.s32 $0x1, s20;
	s23 =	simm.s32 @!p0 $0x4  }
0x9a: {  	s23 =	simm.s32 @p0 $0x3;
	p0 =	sne.s32 s20, $0x7E  }
.Ltmp0:
0x9b: {  	_ = 	snop;
	(pc) =	sbr.rel @p0 .LBB2_2-.Ltmp0, $4  }
0x9c: {  	_ = 	snop  }
0x9d: {  	_ =	swait.ge [sflag:s23], $0x5000  }
0x9e: {  	[sflag:s23] =	ssyncset.done $0x0  }
0x9f: {  	s21 =	sadd.s32 $0x28, s21;
	s22 =	sadd.s32 $0xA00, s22;
	[sflag:s23] =	ssyncadd.s32 $0xFFFFB000  }
0xa0: {  	s19 =	sadd.s32 $0x1, s19  }
0xa1: {  	p0 =	sne.s32 s19, s6  }
.Ltmp1:
0xa2: {  	_ = 	snop;
	(pc) =	sbr.rel @p0 .LBB2_1-.Ltmp1, $1  }
0xa3: {  	_ =	sdelay $0x3  }
0xa4: {  	_ =	sfence.sel $0x180000  }
0xa5: {  	[bflag:$0x0] =	sbarrier.arrive $0xFFFF  }
0xa6: {  	p0 =	sne.s32 s0, $0x0;
	_ =	strace $0x90000047  }
0xa7: {  	s0 =	sadd.s32 @!p0 $0x100000, s2;
	[bflag:$0x2] =	sbarrier.arrive $0xFFFF  }
0xa8: {  	[sflag:s0] =	ssyncadd.tile.s32 @!p0 $0x1;
	_ =	shalt  }
.Lfunc_end2:
_tile_overlayer_lowered:
.L_overlay_start_2:
0xa9: {  	(tag) =	ssettag $0x2  }
0xaa: {  	s0 =	rddreg [dreg:$0x0];
	s2 =	stileid.u32  }
0xab: {  	s1 =	rddreg [dreg:$0x1];
	p0 =	sne.s32 s2, $0x0  }
0xac: {  	s3 =	rddreg [dreg:$0x2];
	[bflag:$0x3] =	sbarrier.arrive $0xFFFF;
	s2 =	simm.s32 @!p0 $0x1C03  }
0xad: {  	[timem:s3], [sflag:s2] =	dma.local @!p0 [hbm:s0], s1  }
0xae: {  	s0 =	simm.s32 @!p0 $0x3  }
0xaf: {  	_ =	swait.ge @!p0 [sflag:s0], s1  }
0xb0: {  	s1 =	ssub.s32 @!p0 $0x0, s1;
	[sflag:s0] =	ssyncset.done @!p0 $0x0  }
0xb1: {  	[sflag:s0] =	ssyncadd.s32 @!p0 s1  }
0xb2: {  	[bflag:$0x3] =	sbarrier.arrive $0xFFFF  }
0xb3: {  	_ =	shalt  }

</sc_bundles>
